<compile_context>
chip_gen: v7x
topology: tpu7x:2x2x1
jax: 0.10.2.dev20260603
libtpu: 0.0.44.dev20260713+nightly
codegen_flags: <defaults>
</compile_context>

<pallas_src>
import functools

import jax
import jax.numpy as jnp
from jax import lax
from jax.experimental import pallas as pl
from jax.experimental.pallas import tpu as pltpu
from jax.experimental.pallas import tpu_sc as plsc

FOLD_EMB_DIM = 128
N_SEQ = 512
BS = 256
BB = 8

_info = plsc.get_sparse_core_info()
_NC, _NS = _info.num_cores, _info.num_subcores
_NW = _NC * _NS
_BPW = BS // _NW


def _sc_gather(idx_hbm, c_hbm, a_hbm, t_hbm, out_hbm, idx_v, rows_v, sem):
    wid = lax.axis_index("s") * _NC + lax.axis_index("c")
    pltpu.sync_copy(idx_hbm.at[wid], idx_v)
    copies = []
    for k, tbl in enumerate((c_hbm, a_hbm, t_hbm)):
        copies.append(pltpu.async_copy(tbl.at[idx_v.at[k]], rows_v.at[k], sem))
    for c in copies:
        c.wait()
    pltpu.sync_copy(rows_v, out_hbm.at[wid])


def _gather_feat(idx_w, emb_C, emb_A, emb_T):
    mesh = plsc.VectorSubcoreMesh(core_axis_name="c", subcore_axis_name="s")
    run = functools.partial(
        pl.kernel,
        mesh=mesh,
        out_type=jax.ShapeDtypeStruct((_NW, 3, _BPW, FOLD_EMB_DIM),
                                      jnp.float32),
        scratch_types=[
            pltpu.VMEM((3, _BPW), jnp.int32),
            pltpu.VMEM((3, _BPW, FOLD_EMB_DIM), jnp.float32),
            pltpu.SemaphoreType.DMA,
        ],
    )(_sc_gather)
    return run(idx_w, emb_C, emb_A, emb_T)


_WPB = BB // _BPW


def _bcast_body(feat_ref, out_ref):
    for w in range(_WPB):
        for r in range(_BPW):
            for k in range(3):
                row = feat_ref[w, k, r, :]
                out_ref[w * _BPW + r, :, 128 * k:128 * (k + 1)] = (
                    jnp.broadcast_to(row[None, :], (N_SEQ, 128)))


def kernel(cath_idx, n, emb_C, emb_A, emb_T):
    del n
    bs = cath_idx.shape[0]
    idx_w = (cath_idx.astype(jnp.int32).T
             .reshape(3, _NW, _BPW).transpose(1, 0, 2))
    feat4 = _gather_feat(idx_w, emb_C, emb_A, emb_T)
    d = 3 * FOLD_EMB_DIM
    out = pl.pallas_call(
        _bcast_body,
        grid=(bs // BB,),
        in_specs=[
            pl.BlockSpec((_WPB, 3, _BPW, FOLD_EMB_DIM),
                         lambda i: (i, 0, 0, 0))
        ],
        out_specs=pl.BlockSpec((BB, N_SEQ, d), lambda i: (i, 0, 0)),
        out_shape=jax.ShapeDtypeStruct((bs, N_SEQ, d), jnp.float32),
    )(feat4)
    return out

# --- scband reference (transcript-rebuilt; emitter-appended) ---
"""Pipeline reference for scband-fold-embedding-seq-feat-31421980737675 (READ-ONLY COPY).

The authoritative reference and input builder live on the scoring server;
editing this copy changes nothing except your own understanding.
"""

import jax, jax.numpy as jnp
import numpy as np

FOLD_EMB_DIM = 128
NUM_C = 5
NUM_A = 43
NUM_T = 1515
BS = 256
N = 512

def setup_inputs(seed: int = 0) -> dict:
    key = jax.random.key(seed)
    k1, k2, k3, k4 = jax.random.split(key, 4)
    # one sampled CATH code per protein after 'sample' multilabel mode: [bs, 3] (C, A, T indices)
    cath_idx = jax.random.randint(k1, (BS, 3), 0, 5, dtype=jnp.int64)
    # learned embedding tables (vocab + 1 for unknown class, matching torch.nn.Embedding(num_classes + 1, dim))
    emb_C = jax.random.normal(k2, (NUM_C + 1, FOLD_EMB_DIM), dtype=jnp.float32)
    emb_A = jax.random.normal(k3, (NUM_A + 1, FOLD_EMB_DIM), dtype=jnp.float32)
    emb_T = jax.random.normal(k4, (NUM_T + 1, FOLD_EMB_DIM), dtype=jnp.float32)
    return {"cath_idx": cath_idx, "n": N, "emb_C": emb_C, "emb_A": emb_A, "emb_T": emb_T}

def reference(cath_idx, n, emb_C, emb_A, emb_T):
    # FoldEmbeddingSeqFeat.forward, multilabel_mode='sample':
    # lookup C/A/T fold class embeddings, concat, then tile across the sequence
    # dimension to produce a per-residue sequence feature [b, n, fold_emb_dim * 3].
    c = jnp.take(emb_C, cath_idx[:, 0], axis=0)
    a = jnp.take(emb_A, cath_idx[:, 1], axis=0)
    t = jnp.take(emb_T, cath_idx[:, 2], axis=0)
    feat = jnp.concatenate([c, a, t], axis=-1)  # [bs, 3 * fold_emb_dim]
    bs, d = feat.shape
    feat = feat + (jnp.asarray(n) - jnp.asarray(n)).astype(feat.dtype)
    return jnp.broadcast_to(feat[:, None, :], (bs, N, d))

if __name__ == "__main__":
    import jax
    _d = setup_inputs()
    print(jax.jit(kernel)(*tuple(_d.values())))

</pallas_src>

<mosaic_0001>
#map = affine_map<(d0, d1) -> (0, 0, 0)>
#map1 = affine_map<(d0, d1) -> (0, 0)>
#map2 = affine_map<(d0, d1) -> (0, 0, 0, 0)>
module attributes {stable_mosaic.version = 14 : i64} {
  func.func @_sc_gather(%arg0: i32, %arg1: i32, %arg2: memref<32x3x8xi32, #tpu.memory_space<hbm>>, %arg3: memref<6x128xf32, #tpu.memory_space<hbm>>, %arg4: memref<44x128xf32, #tpu.memory_space<hbm>>, %arg5: memref<1516x128xf32, #tpu.memory_space<hbm>>, %arg6: memref<32x3x8x128xf32, #tpu.memory_space<hbm>>, %arg7: memref<3x8xi32, #tpu.memory_space<vmem>>, %arg8: memref<3x8x128xf32, #tpu.memory_space<vmem>>, %arg9: memref<!tpu.dma_semaphore, #tpu.memory_space<semaphore_mem>>) attributes {dimension_semantics = [#tpu.dimension_semantics<core_parallel>, #tpu.dimension_semantics<subcore_parallel>], iteration_bounds = array<i64: 2, 16>, scalar_prefetch = 0 : i64, scratch_operands = 3 : i64, tpu.core_type = #tpu.core_type<sc_vector_subcore>, window_params = [{transform_indices = #map}, {transform_indices = #map1}, {transform_indices = #map1}, {transform_indices = #map1}, {transform_indices = #map2}]} {
    %mul3A = arith.constant 2 : i32
    %mul3A_0 = arith.muli %arg1, %mul3A : i32
    %add3A = arith.addi %mul3A_0, %arg0 : i32
    "tpu.region"() ({
      %run_scoped3A = tpu.sem_alloc : memref<!tpu.dma_semaphore, #tpu.memory_space<semaphore_mem>>
      %dma_start3A_71 = arith.constant 0 : i32
      %dma_start3A_72 = arith.constant 0 : i32
      %dma_start3A_73 = tpu.memref_slice %arg2[%add3A, %dma_start3A_71, %dma_start3A_72] : memref<32x3x8xi32, #tpu.memory_space<hbm>> -> memref<1x3x8xi32, #tpu.memory_space<hbm>>
      %dma_start3A_74 = tpu.memref_squeeze %dma_start3A_73 : memref<1x3x8xi32, #tpu.memory_space<hbm>> -> memref<3x8xi32, #tpu.memory_space<hbm>>
      %dma_start3A_75 = arith.constant 0 : i32
      %dma_start3A_76 = arith.constant 0 : i32
      %dma_start3A_77 = tpu.memref_slice %arg2[%add3A, %dma_start3A_75, %dma_start3A_76] : memref<32x3x8xi32, #tpu.memory_space<hbm>> -> memref<1x3x8xi32, #tpu.memory_space<hbm>>
      %dma_start3A_78 = tpu.memref_squeeze %dma_start3A_77 : memref<1x3x8xi32, #tpu.memory_space<hbm>> -> memref<3x8xi32, #tpu.memory_space<hbm>>
      tpu.enqueue_dma source(%dma_start3A_78 : memref<3x8xi32, #tpu.memory_space<hbm>>) target(%arg7 : memref<3x8xi32, #tpu.memory_space<vmem>>) target_semaphore(%run_scoped3A : memref<!tpu.dma_semaphore, #tpu.memory_space<semaphore_mem>>)
      %dma_wait3A_79 = arith.constant 0 : i32
      %dma_wait3A_80 = arith.constant 0 : i32
      %dma_wait3A_81 = tpu.memref_slice %arg2[%add3A, %dma_wait3A_79, %dma_wait3A_80] : memref<32x3x8xi32, #tpu.memory_space<hbm>> -> memref<1x3x8xi32, #tpu.memory_space<hbm>>
      %dma_wait3A_82 = tpu.memref_squeeze %dma_wait3A_81 : memref<1x3x8xi32, #tpu.memory_space<hbm>> -> memref<3x8xi32, #tpu.memory_space<hbm>>
      %dma_wait3A_83 = arith.constant 0 : i32
      %dma_wait3A_84 = arith.constant 0 : i32
      %dma_wait3A_85 = tpu.memref_slice %arg2[%add3A, %dma_wait3A_83, %dma_wait3A_84] : memref<32x3x8xi32, #tpu.memory_space<hbm>> -> memref<1x3x8xi32, #tpu.memory_space<hbm>>
      %dma_wait3A_86 = tpu.memref_squeeze %dma_wait3A_85 : memref<1x3x8xi32, #tpu.memory_space<hbm>> -> memref<3x8xi32, #tpu.memory_space<hbm>>
      tpu.wait_dma2 semaphore(%run_scoped3A : memref<!tpu.dma_semaphore, #tpu.memory_space<semaphore_mem>>) src(%dma_wait3A_86 : memref<3x8xi32, #tpu.memory_space<hbm>>) dst(%arg7 : memref<3x8xi32, #tpu.memory_space<vmem>>)
      tpu.yield
    }) : () -> ()
    %dma_start3A = arith.constant 0 : i32
    %dma_start3A_1 = arith.constant 0 : i32
    %dma_start3A_2 = arith.constant 0 : i32
    %dma_start3A_3 = arith.constant 0 : i32
    %dma_start3A_4 = tpu.memref_slice %arg8[%dma_start3A_1, %dma_start3A_2, %dma_start3A_3] : memref<3x8x128xf32, #tpu.memory_space<vmem>> -> memref<1x8x128xf32, #tpu.memory_space<vmem>>
    %dma_start3A_5 = tpu.memref_squeeze %dma_start3A_4 : memref<1x8x128xf32, #tpu.memory_space<vmem>> -> memref<8x128xf32, #tpu.memory_space<vmem>>
    %dma_start3A_6 = arith.constant 0 : i32
    %dma_start3A_7 = tpu.memref_slice %arg7[%dma_start3A, %dma_start3A_6] : memref<3x8xi32, #tpu.memory_space<vmem>> -> memref<1x8xi32, #tpu.memory_space<vmem>>
    %dma_start3A_8 = tpu.memref_squeeze %dma_start3A_7 : memref<1x8xi32, #tpu.memory_space<vmem>> -> memref<8xi32, #tpu.memory_space<vmem>>
    %dma_start3A_9 = arith.constant 0 : i32
    %dma_start3A_10 = arith.constant 0 : i32
    %dma_start3A_11 = tpu.memref_slice %arg3[%dma_start3A_9, %dma_start3A_10] : memref<6x128xf32, #tpu.memory_space<hbm>> -> memref<6x128xf32, #tpu.memory_space<hbm>>
    tpu.enqueue_indirect_dma source(%dma_start3A_11 : memref<6x128xf32, #tpu.memory_space<hbm>>) target(%dma_start3A_5 : memref<8x128xf32, #tpu.memory_space<vmem>>) offsets(%dma_start3A_8 : memref<8xi32, #tpu.memory_space<vmem>>) semaphore(%arg9 : memref<!tpu.dma_semaphore, #tpu.memory_space<semaphore_mem>>)
    %dma_start3A_12 = arith.constant 1 : i32
    %dma_start3A_13 = arith.constant 1 : i32
    %dma_start3A_14 = arith.constant 0 : i32
    %dma_start3A_15 = arith.constant 0 : i32
    %dma_start3A_16 = tpu.memref_slice %arg8[%dma_start3A_13, %dma_start3A_14, %dma_start3A_15] : memref<3x8x128xf32, #tpu.memory_space<vmem>> -> memref<1x8x128xf32, #tpu.memory_space<vmem>>
    %dma_start3A_17 = tpu.memref_squeeze %dma_start3A_16 : memref<1x8x128xf32, #tpu.memory_space<vmem>> -> memref<8x128xf32, #tpu.memory_space<vmem>>
    %dma_start3A_18 = arith.constant 0 : i32
    %dma_start3A_19 = tpu.memref_slice %arg7[%dma_start3A_12, %dma_start3A_18] : memref<3x8xi32, #tpu.memory_space<vmem>> -> memref<1x8xi32, #tpu.memory_space<vmem>>
    %dma_start3A_20 = tpu.memref_squeeze %dma_start3A_19 : memref<1x8xi32, #tpu.memory_space<vmem>> -> memref<8xi32, #tpu.memory_space<vmem>>
    %dma_start3A_21 = arith.constant 0 : i32
    %dma_start3A_22 = arith.constant 0 : i32
    %dma_start3A_23 = tpu.memref_slice %arg4[%dma_start3A_21, %dma_start3A_22] : memref<44x128xf32, #tpu.memory_space<hbm>> -> memref<44x128xf32, #tpu.memory_space<hbm>>
    tpu.enqueue_indirect_dma source(%dma_start3A_23 : memref<44x128xf32, #tpu.memory_space<hbm>>) target(%dma_start3A_17 : memref<8x128xf32, #tpu.memory_space<vmem>>) offsets(%dma_start3A_20 : memref<8xi32, #tpu.memory_space<vmem>>) semaphore(%arg9 : memref<!tpu.dma_semaphore, #tpu.memory_space<semaphore_mem>>)
    %dma_start3A_24 = arith.constant 2 : i32
    %dma_start3A_25 = arith.constant 2 : i32
    %dma_start3A_26 = arith.constant 0 : i32
    %dma_start3A_27 = arith.constant 0 : i32
    %dma_start3A_28 = tpu.memref_slice %arg8[%dma_start3A_25, %dma_start3A_26, %dma_start3A_27] : memref<3x8x128xf32, #tpu.memory_space<vmem>> -> memref<1x8x128xf32, #tpu.memory_space<vmem>>
    %dma_start3A_29 = tpu.memref_squeeze %dma_start3A_28 : memref<1x8x128xf32, #tpu.memory_space<vmem>> -> memref<8x128xf32, #tpu.memory_space<vmem>>
    %dma_start3A_30 = arith.constant 0 : i32
    %dma_start3A_31 = tpu.memref_slice %arg7[%dma_start3A_24, %dma_start3A_30] : memref<3x8xi32, #tpu.memory_space<vmem>> -> memref<1x8xi32, #tpu.memory_space<vmem>>
    %dma_start3A_32 = tpu.memref_squeeze %dma_start3A_31 : memref<1x8xi32, #tpu.memory_space<vmem>> -> memref<8xi32, #tpu.memory_space<vmem>>
    %dma_start3A_33 = arith.constant 0 : i32
    %dma_start3A_34 = arith.constant 0 : i32
    %dma_start3A_35 = tpu.memref_slice %arg5[%dma_start3A_33, %dma_start3A_34] : memref<1516x128xf32, #tpu.memory_space<hbm>> -> memref<1516x128xf32, #tpu.memory_space<hbm>>
    tpu.enqueue_indirect_dma source(%dma_start3A_35 : memref<1516x128xf32, #tpu.memory_space<hbm>>) target(%dma_start3A_29 : memref<8x128xf32, #tpu.memory_space<vmem>>) offsets(%dma_start3A_32 : memref<8xi32, #tpu.memory_space<vmem>>) semaphore(%arg9 : memref<!tpu.dma_semaphore, #tpu.memory_space<semaphore_mem>>)
    %dma_wait3A = arith.constant 0 : i32
    %dma_wait3A_36 = arith.constant 0 : i32
    %dma_wait3A_37 = arith.constant 0 : i32
    %dma_wait3A_38 = arith.constant 0 : i32
    %dma_wait3A_39 = tpu.memref_slice %arg8[%dma_wait3A_36, %dma_wait3A_37, %dma_wait3A_38] : memref<3x8x128xf32, #tpu.memory_space<vmem>> -> memref<1x8x128xf32, #tpu.memory_space<vmem>>
    %dma_wait3A_40 = tpu.memref_squeeze %dma_wait3A_39 : memref<1x8x128xf32, #tpu.memory_space<vmem>> -> memref<8x128xf32, #tpu.memory_space<vmem>>
    %dma_wait3A_41 = arith.constant 0 : i32
    %dma_wait3A_42 = tpu.memref_slice %arg7[%dma_wait3A, %dma_wait3A_41] : memref<3x8xi32, #tpu.memory_space<vmem>> -> memref<1x8xi32, #tpu.memory_space<vmem>>
    %dma_wait3A_43 = tpu.memref_squeeze %dma_wait3A_42 : memref<1x8xi32, #tpu.memory_space<vmem>> -> memref<8xi32, #tpu.memory_space<vmem>>
    %dma_wait3A_44 = arith.constant 0 : i32
    %dma_wait3A_45 = arith.constant 0 : i32
    %dma_wait3A_46 = tpu.memref_slice %arg3[%dma_wait3A_44, %dma_wait3A_45] : memref<6x128xf32, #tpu.memory_space<hbm>> -> memref<6x128xf32, #tpu.memory_space<hbm>>
    tpu.wait_indirect_dma semaphore(%arg9 : memref<!tpu.dma_semaphore, #tpu.memory_space<semaphore_mem>>) src(%dma_wait3A_46 : memref<6x128xf32, #tpu.memory_space<hbm>>) dst(%dma_wait3A_40 : memref<8x128xf32, #tpu.memory_space<vmem>>)
    %dma_wait3A_47 = arith.constant 1 : i32
    %dma_wait3A_48 = arith.constant 1 : i32
    %dma_wait3A_49 = arith.constant 0 : i32
    %dma_wait3A_50 = arith.constant 0 : i32
    %dma_wait3A_51 = tpu.memref_slice %arg8[%dma_wait3A_48, %dma_wait3A_49, %dma_wait3A_50] : memref<3x8x128xf32, #tpu.memory_space<vmem>> -> memref<1x8x128xf32, #tpu.memory_space<vmem>>
    %dma_wait3A_52 = tpu.memref_squeeze %dma_wait3A_51 : memref<1x8x128xf32, #tpu.memory_space<vmem>> -> memref<8x128xf32, #tpu.memory_space<vmem>>
    %dma_wait3A_53 = arith.constant 0 : i32
    %dma_wait3A_54 = tpu.memref_slice %arg7[%dma_wait3A_47, %dma_wait3A_53] : memref<3x8xi32, #tpu.memory_space<vmem>> -> memref<1x8xi32, #tpu.memory_space<vmem>>
    %dma_wait3A_55 = tpu.memref_squeeze %dma_wait3A_54 : memref<1x8xi32, #tpu.memory_space<vmem>> -> memref<8xi32, #tpu.memory_space<vmem>>
    %dma_wait3A_56 = arith.constant 0 : i32
    %dma_wait3A_57 = arith.constant 0 : i32
    %dma_wait3A_58 = tpu.memref_slice %arg4[%dma_wait3A_56, %dma_wait3A_57] : memref<44x128xf32, #tpu.memory_space<hbm>> -> memref<44x128xf32, #tpu.memory_space<hbm>>
    tpu.wait_indirect_dma semaphore(%arg9 : memref<!tpu.dma_semaphore, #tpu.memory_space<semaphore_mem>>) src(%dma_wait3A_58 : memref<44x128xf32, #tpu.memory_space<hbm>>) dst(%dma_wait3A_52 : memref<8x128xf32, #tpu.memory_space<vmem>>)
    %dma_wait3A_59 = arith.constant 2 : i32
    %dma_wait3A_60 = arith.constant 2 : i32
    %dma_wait3A_61 = arith.constant 0 : i32
    %dma_wait3A_62 = arith.constant 0 : i32
    %dma_wait3A_63 = tpu.memref_slice %arg8[%dma_wait3A_60, %dma_wait3A_61, %dma_wait3A_62] : memref<3x8x128xf32, #tpu.memory_space<vmem>> -> memref<1x8x128xf32, #tpu.memory_space<vmem>>
    %dma_wait3A_64 = tpu.memref_squeeze %dma_wait3A_63 : memref<1x8x128xf32, #tpu.memory_space<vmem>> -> memref<8x128xf32, #tpu.memory_space<vmem>>
    %dma_wait3A_65 = arith.constant 0 : i32
    %dma_wait3A_66 = tpu.memref_slice %arg7[%dma_wait3A_59, %dma_wait3A_65] : memref<3x8xi32, #tpu.memory_space<vmem>> -> memref<1x8xi32, #tpu.memory_space<vmem>>
    %dma_wait3A_67 = tpu.memref_squeeze %dma_wait3A_66 : memref<1x8xi32, #tpu.memory_space<vmem>> -> memref<8xi32, #tpu.memory_space<vmem>>
    %dma_wait3A_68 = arith.constant 0 : i32
    %dma_wait3A_69 = arith.constant 0 : i32
    %dma_wait3A_70 = tpu.memref_slice %arg5[%dma_wait3A_68, %dma_wait3A_69] : memref<1516x128xf32, #tpu.memory_space<hbm>> -> memref<1516x128xf32, #tpu.memory_space<hbm>>
    tpu.wait_indirect_dma semaphore(%arg9 : memref<!tpu.dma_semaphore, #tpu.memory_space<semaphore_mem>>) src(%dma_wait3A_70 : memref<1516x128xf32, #tpu.memory_space<hbm>>) dst(%dma_wait3A_64 : memref<8x128xf32, #tpu.memory_space<vmem>>)
    "tpu.region"() ({
      %run_scoped3A = tpu.sem_alloc : memref<!tpu.dma_semaphore, #tpu.memory_space<semaphore_mem>>
      %dma_start3A_71 = arith.constant 0 : i32
      %dma_start3A_72 = arith.constant 0 : i32
      %dma_start3A_73 = arith.constant 0 : i32
      %dma_start3A_74 = tpu.memref_slice %arg6[%add3A, %dma_start3A_71, %dma_start3A_72, %dma_start3A_73] : memref<32x3x8x128xf32, #tpu.memory_space<hbm>> -> memref<1x3x8x128xf32, #tpu.memory_space<hbm>>
      %dma_start3A_75 = tpu.memref_squeeze %dma_start3A_74 : memref<1x3x8x128xf32, #tpu.memory_space<hbm>> -> memref<3x8x128xf32, #tpu.memory_space<hbm>>
      %dma_start3A_76 = arith.constant 0 : i32
      %dma_start3A_77 = arith.constant 0 : i32
      %dma_start3A_78 = arith.constant 0 : i32
      %dma_start3A_79 = tpu.memref_slice %arg6[%add3A, %dma_start3A_76, %dma_start3A_77, %dma_start3A_78] : memref<32x3x8x128xf32, #tpu.memory_space<hbm>> -> memref<1x3x8x128xf32, #tpu.memory_space<hbm>>
      %dma_start3A_80 = tpu.memref_squeeze %dma_start3A_79 : memref<1x3x8x128xf32, #tpu.memory_space<hbm>> -> memref<3x8x128xf32, #tpu.memory_space<hbm>>
      tpu.enqueue_dma source(%arg8 : memref<3x8x128xf32, #tpu.memory_space<vmem>>) target(%dma_start3A_80 : memref<3x8x128xf32, #tpu.memory_space<hbm>>) target_semaphore(%run_scoped3A : memref<!tpu.dma_semaphore, #tpu.memory_space<semaphore_mem>>)
      %dma_wait3A_81 = arith.constant 0 : i32
      %dma_wait3A_82 = arith.constant 0 : i32
      %dma_wait3A_83 = arith.constant 0 : i32
      %dma_wait3A_84 = tpu.memref_slice %arg6[%add3A, %dma_wait3A_81, %dma_wait3A_82, %dma_wait3A_83] : memref<32x3x8x128xf32, #tpu.memory_space<hbm>> -> memref<1x3x8x128xf32, #tpu.memory_space<hbm>>
      %dma_wait3A_85 = tpu.memref_squeeze %dma_wait3A_84 : memref<1x3x8x128xf32, #tpu.memory_space<hbm>> -> memref<3x8x128xf32, #tpu.memory_space<hbm>>
      %dma_wait3A_86 = arith.constant 0 : i32
      %dma_wait3A_87 = arith.constant 0 : i32
      %dma_wait3A_88 = arith.constant 0 : i32
      %dma_wait3A_89 = tpu.memref_slice %arg6[%add3A, %dma_wait3A_86, %dma_wait3A_87, %dma_wait3A_88] : memref<32x3x8x128xf32, #tpu.memory_space<hbm>> -> memref<1x3x8x128xf32, #tpu.memory_space<hbm>>
      %dma_wait3A_90 = tpu.memref_squeeze %dma_wait3A_89 : memref<1x3x8x128xf32, #tpu.memory_space<hbm>> -> memref<3x8x128xf32, #tpu.memory_space<hbm>>
      tpu.wait_dma2 semaphore(%run_scoped3A : memref<!tpu.dma_semaphore, #tpu.memory_space<semaphore_mem>>) src(%arg8 : memref<3x8x128xf32, #tpu.memory_space<vmem>>) dst(%dma_wait3A_90 : memref<3x8x128xf32, #tpu.memory_space<hbm>>)
      tpu.yield
    }) : () -> ()
    return
  }
}

module attributes {stable_mosaic.version = 14 : i64} {
  func.func @_bcast_body(%arg0: i32, %arg1: memref<1x3x8x128xf32, #tpu.memory_space<vmem>>, %arg2: memref<8x512x384xf32, #tpu.memory_space<vmem>>) attributes {dimension_semantics = [#tpu.dimension_semantics<arbitrary>], iteration_bounds = array<i64: 32>, scalar_prefetch = 0 : i64, scratch_operands = 0 : i64, tpu.core_type = #tpu.core_type<tc>, window_params = [{transform_indices = @transform_0, window_bounds = array<i64: 1, 3, 8, 128>}, {transform_indices = @transform_1, window_bounds = array<i64: 8, 512, 384>}]} {
    %get3A = arith.constant 0 : index
    %get3A_0 = arith.constant 0 : index
    %get3A_1 = arith.constant 0 : index
    %get3A_2 = arith.constant 0 : index
    %get3A_3 = vector.load %arg1[%get3A, %get3A_0, %get3A_1, %get3A_2] : memref<1x3x8x128xf32, #tpu.memory_space<vmem>>, vector<1x1x1x128xf32>
    %get3A_4 = vector.shape_cast %get3A_3 : vector<1x1x1x128xf32> to vector<128xf32>
    %broadcast_in_dim3A = vector.shape_cast %get3A_4 : vector<128xf32> to vector<1x128xf32>
    %broadcast_in_dim3A_5 = vector.shape_cast %broadcast_in_dim3A : vector<1x128xf32> to vector<1x128xf32>
    %broadcast_in_dim3A_6 = vector.broadcast %broadcast_in_dim3A_5 : vector<1x128xf32> to vector<512x128xf32>
    %swap3A = arith.constant 0 : index
    %swap3A_7 = arith.constant 0 : index
    %swap3A_8 = arith.constant 0 : index
    %swap3A_9 = vector.load %arg2[%swap3A, %swap3A_7, %swap3A_8] : memref<8x512x384xf32, #tpu.memory_space<vmem>>, vector<1x512x128xf32>
    %swap3A_10 = vector.shape_cast %swap3A_9 : vector<1x512x128xf32> to vector<512x128xf32>
    %swap3A_11 = vector.shape_cast %broadcast_in_dim3A_6 : vector<512x128xf32> to vector<1x512x128xf32>
    tpu.vector_store %arg2[%swap3A, %swap3A_7, %swap3A_8], %swap3A_11 {strides = array<i32>} : memref<8x512x384xf32, #tpu.memory_space<vmem>>, vector<1x512x128xf32>,
    %get3A_12 = arith.constant 0 : index
    %get3A_13 = arith.constant 1 : index
    %get3A_14 = arith.constant 0 : index
    %get3A_15 = arith.constant 0 : index
    %get3A_16 = vector.load %arg1[%get3A_12, %get3A_13, %get3A_14, %get3A_15] : memref<1x3x8x128xf32, #tpu.memory_space<vmem>>, vector<1x1x1x128xf32>
    %get3A_17 = vector.shape_cast %get3A_16 : vector<1x1x1x128xf32> to vector<128xf32>
    %broadcast_in_dim3A_18 = vector.shape_cast %get3A_17 : vector<128xf32> to vector<1x128xf32>
    %broadcast_in_dim3A_19 = vector.shape_cast %broadcast_in_dim3A_18 : vector<1x128xf32> to vector<1x128xf32>
    %broadcast_in_dim3A_20 = vector.broadcast %broadcast_in_dim3A_19 : vector<1x128xf32> to vector<512x128xf32>
    %swap3A_21 = arith.constant 0 : index
    %swap3A_22 = arith.constant 0 : index
    %swap3A_23 = arith.constant 128 : index
    %swap3A_24 = vector.load %arg2[%swap3A_21, %swap3A_22, %swap3A_23] : memref<8x512x384xf32, #tpu.memory_space<vmem>>, vector<1x512x128xf32>
    %swap3A_25 = vector.shape_cast %swap3A_24 : vector<1x512x128xf32> to vector<512x128xf32>
    %swap3A_26 = vector.shape_cast %broadcast_in_dim3A_20 : vector<512x128xf32> to vector<1x512x128xf32>
    tpu.vector_store %arg2[%swap3A_21, %swap3A_22, %swap3A_23], %swap3A_26 {strides = array<i32>} : memref<8x512x384xf32, #tpu.memory_space<vmem>>, vector<1x512x128xf32>,
    %get3A_27 = arith.constant 0 : index
    %get3A_28 = arith.constant 2 : index
    %get3A_29 = arith.constant 0 : index
    %get3A_30 = arith.constant 0 : index
    %get3A_31 = vector.load %arg1[%get3A_27, %get3A_28, %get3A_29, %get3A_30] : memref<1x3x8x128xf32, #tpu.memory_space<vmem>>, vector<1x1x1x128xf32>
    %get3A_32 = vector.shape_cast %get3A_31 : vector<1x1x1x128xf32> to vector<128xf32>
    %broadcast_in_dim3A_33 = vector.shape_cast %get3A_32 : vector<128xf32> to vector<1x128xf32>
    %broadcast_in_dim3A_34 = vector.shape_cast %broadcast_in_dim3A_33 : vector<1x128xf32> to vector<1x128xf32>
    %broadcast_in_dim3A_35 = vector.broadcast %broadcast_in_dim3A_34 : vector<1x128xf32> to vector<512x128xf32>
    %swap3A_36 = arith.constant 0 : index
    %swap3A_37 = arith.constant 0 : index
    %swap3A_38 = arith.constant 256 : index
    %swap3A_39 = vector.load %arg2[%swap3A_36, %swap3A_37, %swap3A_38] : memref<8x512x384xf32, #tpu.memory_space<vmem>>, vector<1x512x128xf32>
    %swap3A_40 = vector.shape_cast %swap3A_39 : vector<1x512x128xf32> to vector<512x128xf32>
    %swap3A_41 = vector.shape_cast %broadcast_in_dim3A_35 : vector<512x128xf32> to vector<1x512x128xf32>
    tpu.vector_store %arg2[%swap3A_36, %swap3A_37, %swap3A_38], %swap3A_41 {strides = array<i32>} : memref<8x512x384xf32, #tpu.memory_space<vmem>>, vector<1x512x128xf32>,
    %get3A_42 = arith.constant 0 : index
    %get3A_43 = arith.constant 0 : index
    %get3A_44 = arith.constant 1 : index
    %get3A_45 = arith.constant 0 : index
    %get3A_46 = vector.load %arg1[%get3A_42, %get3A_43, %get3A_44, %get3A_45] : memref<1x3x8x128xf32, #tpu.memory_space<vmem>>, vector<1x1x1x128xf32>
    %get3A_47 = vector.shape_cast %get3A_46 : vector<1x1x1x128xf32> to vector<128xf32>
    %broadcast_in_dim3A_48 = vector.shape_cast %get3A_47 : vector<128xf32> to vector<1x128xf32>
    %broadcast_in_dim3A_49 = vector.shape_cast %broadcast_in_dim3A_48 : vector<1x128xf32> to vector<1x128xf32>
    %broadcast_in_dim3A_50 = vector.broadcast %broadcast_in_dim3A_49 : vector<1x128xf32> to vector<512x128xf32>
    %swap3A_51 = arith.constant 1 : index
    %swap3A_52 = arith.constant 0 : index
    %swap3A_53 = arith.constant 0 : index
    %swap3A_54 = vector.load %arg2[%swap3A_51, %swap3A_52, %swap3A_53] : memref<8x512x384xf32, #tpu.memory_space<vmem>>, vector<1x512x128xf32>
    %swap3A_55 = vector.shape_cast %swap3A_54 : vector<1x512x128xf32> to vector<512x128xf32>
    %swap3A_56 = vector.shape_cast %broadcast_in_dim3A_50 : vector<512x128xf32> to vector<1x512x128xf32>
    tpu.vector_store %arg2[%swap3A_51, %swap3A_52, %swap3A_53], %swap3A_56 {strides = array<i32>} : memref<8x512x384xf32, #tpu.memory_space<vmem>>, vector<1x512x128xf32>,
    %get3A_57 = arith.constant 0 : index
    %get3A_58 = arith.constant 1 : index
    %get3A_59 = arith.constant 1 : index
    %get3A_60 = arith.constant 0 : index
    %get3A_61 = vector.load %arg1[%get3A_57, %get3A_58, %get3A_59, %get3A_60] : memref<1x3x8x128xf32, #tpu.memory_space<vmem>>, vector<1x1x1x128xf32>
    %get3A_62 = vector.shape_cast %get3A_61 : vector<1x1x1x128xf32> to vector<128xf32>
    %broadcast_in_dim3A_63 = vector.shape_cast %get3A_62 : vector<128xf32> to vector<1x128xf32>
    %broadcast_in_dim3A_64 = vector.shape_cast %broadcast_in_dim3A_63 : vector<1x128xf32> to vector<1x128xf32>
    %broadcast_in_dim3A_65 = vector.broadcast %broadcast_in_dim3A_64 : vector<1x128xf32> to vector<512x128xf32>
    %swap3A_66 = arith.constant 1 : index
    %swap3A_67 = arith.constant 0 : index
    %swap3A_68 = arith.constant 128 : index
    %swap3A_69 = vector.load %arg2[%swap3A_66, %swap3A_67, %swap3A_68] : memref<8x512x384xf32, #tpu.memory_space<vmem>>, vector<1x512x128xf32>
    %swap3A_70 = vector.shape_cast %swap3A_69 : vector<1x512x128xf32> to vector<512x128xf32>
    %swap3A_71 = vector.shape_cast %broadcast_in_dim3A_65 : vector<512x128xf32> to vector<1x512x128xf32>
    tpu.vector_store %arg2[%swap3A_66, %swap3A_67, %swap3A_68], %swap3A_71 {strides = array<i32>} : memref<8x512x384xf32, #tpu.memory_space<vmem>>, vector<1x512x128xf32>,
    %get3A_72 = arith.constant 0 : index
    %get3A_73 = arith.constant 2 : index
    %get3A_74 = arith.constant 1 : index
    %get3A_75 = arith.constant 0 : index
    %get3A_76 = vector.load %arg1[%get3A_72, %get3A_73, %get3A_74, %get3A_75] : memref<1x3x8x128xf32, #tpu.memory_space<vmem>>, vector<1x1x1x128xf32>
    %get3A_77 = vector.shape_cast %get3A_76 : vector<1x1x1x128xf32> to vector<128xf32>
    %broadcast_in_dim3A_78 = vector.shape_cast %get3A_77 : vector<128xf32> to vector<1x128xf32>
    %broadcast_in_dim3A_79 = vector.shape_cast %broadcast_in_dim3A_78 : vector<1x128xf32> to vector<1x128xf32>
    %broadcast_in_dim3A_80 = vector.broadcast %broadcast_in_dim3A_79 : vector<1x128xf32> to vector<512x128xf32>
    %swap3A_81 = arith.constant 1 : index
    %swap3A_82 = arith.constant 0 : index
    %swap3A_83 = arith.constant 256 : index
    %swap3A_84 = vector.load %arg2[%swap3A_81, %swap3A_82, %swap3A_83] : memref<8x512x384xf32, #tpu.memory_space<vmem>>, vector<1x512x128xf32>
    %swap3A_85 = vector.shape_cast %swap3A_84 : vector<1x512x128xf32> to vector<512x128xf32>
    %swap3A_86 = vector.shape_cast %broadcast_in_dim3A_80 : vector<512x128xf32> to vector<1x512x128xf32>
    tpu.vector_store %arg2[%swap3A_81, %swap3A_82, %swap3A_83], %swap3A_86 {strides = array<i32>} : memref<8x512x384xf32, #tpu.memory_space<vmem>>, vector<1x512x128xf32>,
    %get3A_87 = arith.constant 0 : index
    %get3A_88 = arith.constant 0 : index
    %get3A_89 = arith.constant 2 : index
    %get3A_90 = arith.constant 0 : index
    %get3A_91 = vector.load %arg1[%get3A_87, %get3A_88, %get3A_89, %get3A_90] : memref<1x3x8x128xf32, #tpu.memory_space<vmem>>, vector<1x1x1x128xf32>
    %get3A_92 = vector.shape_cast %get3A_91 : vector<1x1x1x128xf32> to vector<128xf32>
    %broadcast_in_dim3A_93 = vector.shape_cast %get3A_92 : vector<128xf32> to vector<1x128xf32>
    %broadcast_in_dim3A_94 = vector.shape_cast %broadcast_in_dim3A_93 : vector<1x128xf32> to vector<1x128xf32>
    %broadcast_in_dim3A_95 = vector.broadcast %broadcast_in_dim3A_94 : vector<1x128xf32> to vector<512x128xf32>
    %swap3A_96 = arith.constant 2 : index
    %swap3A_97 = arith.constant 0 : index
    %swap3A_98 = arith.constant 0 : index
    %swap3A_99 = vector.load %arg2[%swap3A_96, %swap3A_97, %swap3A_98] : memref<8x512x384xf32, #tpu.memory_space<vmem>>, vector<1x512x128xf32>
    %swap3A_100 = vector.shape_cast %swap3A_99 : vector<1x512x128xf32> to vector<512x128xf32>
    %swap3A_101 = vector.shape_cast %broadcast_in_dim3A_95 : vector<512x128xf32> to vector<1x512x128xf32>
    tpu.vector_store %arg2[%swap3A_96, %swap3A_97, %swap3A_98], %swap3A_101 {strides = array<i32>} : memref<8x512x384xf32, #tpu.memory_space<vmem>>, vector<1x512x128xf32>,
    %get3A_102 = arith.constant 0 : index
    %get3A_103 = arith.constant 1 : index
    %get3A_104 = arith.constant 2 : index
    %get3A_105 = arith.constant 0 : index
    %get3A_106 = vector.load %arg1[%get3A_102, %get3A_103, %get3A_104, %get3A_105] : memref<1x3x8x128xf32, #tpu.memory_space<vmem>>, vector<1x1x1x128xf32>
    %get3A_107 = vector.shape_cast %get3A_106 : vector<1x1x1x128xf32> to vector<128xf32>
    %broadcast_in_dim3A_108 = vector.shape_cast %get3A_107 : vector<128xf32> to vector<1x128xf32>
    %broadcast_in_dim3A_109 = vector.shape_cast %broadcast_in_dim3A_108 : vector<1x128xf32> to vector<1x128xf32>
    %broadcast_in_dim3A_110 = vector.broadcast %broadcast_in_dim3A_109 : vector<1x128xf32> to vector<512x128xf32>
    %swap3A_111 = arith.constant 2 : index
    %swap3A_112 = arith.constant 0 : index
    %swap3A_113 = arith.constant 128 : index
    %swap3A_114 = vector.load %arg2[%swap3A_111, %swap3A_112, %swap3A_113] : memref<8x512x384xf32, #tpu.memory_space<vmem>>, vector<1x512x128xf32>
    %swap3A_115 = vector.shape_cast %swap3A_114 : vector<1x512x128xf32> to vector<512x128xf32>
    %swap3A_116 = vector.shape_cast %broadcast_in_dim3A_110 : vector<512x128xf32> to vector<1x512x128xf32>
    tpu.vector_store %arg2[%swap3A_111, %swap3A_112, %swap3A_113], %swap3A_116 {strides = array<i32>} : memref<8x512x384xf32, #tpu.memory_space<vmem>>, vector<1x512x128xf32>,
    %get3A_117 = arith.constant 0 : index
    %get3A_118 = arith.constant 2 : index
    %get3A_119 = arith.constant 2 : index
    %get3A_120 = arith.constant 0 : index
    %get3A_121 = vector.load %arg1[%get3A_117, %get3A_118, %get3A_119, %get3A_120] : memref<1x3x8x128xf32, #tpu.memory_space<vmem>>, vector<1x1x1x128xf32>
    %get3A_122 = vector.shape_cast %get3A_121 : vector<1x1x1x128xf32> to vector<128xf32>
    %broadcast_in_dim3A_123 = vector.shape_cast %get3A_122 : vector<128xf32> to vector<1x128xf32>
    %broadcast_in_dim3A_124 = vector.shape_cast %broadcast_in_dim3A_123 : vector<1x128xf32> to vector<1x128xf32>
    %broadcast_in_dim3A_125 = vector.broadcast %broadcast_in_dim3A_124 : vector<1x128xf32> to vector<512x128xf32>
    %swap3A_126 = arith.constant 2 : index
    %swap3A_127 = arith.constant 0 : index
    %swap3A_128 = arith.constant 256 : index
    %swap3A_129 = vector.load %arg2[%swap3A_126, %swap3A_127, %swap3A_128] : memref<8x512x384xf32, #tpu.memory_space<vmem>>, vector<1x512x128xf32>
    %swap3A_130 = vector.shape_cast %swap3A_129 : vector<1x512x128xf32> to vector<512x128xf32>
    %swap3A_131 = vector.shape_cast %broadcast_in_dim3A_125 : vector<512x128xf32> to vector<1x512x128xf32>
    tpu.vector_store %arg2[%swap3A_126, %swap3A_127, %swap3A_128], %swap3A_131 {strides = array<i32>} : memref<8x512x384xf32, #tpu.memory_space<vmem>>, vector<1x512x128xf32>,
    %get3A_132 = arith.constant 0 : index
    %get3A_133 = arith.constant 0 : index
    %get3A_134 = arith.constant 3 : index
    %get3A_135 = arith.constant 0 : index
    %get3A_136 = vector.load %arg1[%get3A_132, %get3A_133, %get3A_134, %get3A_135] : memref<1x3x8x128xf32, #tpu.memory_space<vmem>>, vector<1x1x1x128xf32>
    %get3A_137 = vector.shape_cast %get3A_136 : vector<1x1x1x128xf32> to vector<128xf32>
    %broadcast_in_dim3A_138 = vector.shape_cast %get3A_137 : vector<128xf32> to vector<1x128xf32>
    %broadcast_in_dim3A_139 = vector.shape_cast %broadcast_in_dim3A_138 : vector<1x128xf32> to vector<1x128xf32>
    %broadcast_in_dim3A_140 = vector.broadcast %broadcast_in_dim3A_139 : vector<1x128xf32> to vector<512x128xf32>
    %swap3A_141 = arith.constant 3 : index
    %swap3A_142 = arith.constant 0 : index
    %swap3A_143 = arith.constant 0 : index
    %swap3A_144 = vector.load %arg2[%swap3A_141, %swap3A_142, %swap3A_143] : memref<8x512x384xf32, #tpu.memory_space<vmem>>, vector<1x512x128xf32>
    %swap3A_145 = vector.shape_cast %swap3A_144 : vector<1x512x128xf32> to vector<512x128xf32>
    %swap3A_146 = vector.shape_cast %broadcast_in_dim3A_140 : vector<512x128xf32> to vector<1x512x128xf32>
    tpu.vector_store %arg2[%swap3A_141, %swap3A_142, %swap3A_143], %swap3A_146 {strides = array<i32>} : memref<8x512x384xf32, #tpu.memory_space<vmem>>, vector<1x512x128xf32>,
    %get3A_147 = arith.constant 0 : index
    %get3A_148 = arith.constant 1 : index
    %get3A_149 = arith.constant 3 : index
    %get3A_150 = arith.constant 0 : index
    %get3A_151 = vector.load %arg1[%get3A_147, %get3A_148, %get3A_149, %get3A_150] : memref<1x3x8x128xf32, #tpu.memory_space<vmem>>, vector<1x1x1x128xf32>
    %get3A_152 = vector.shape_cast %get3A_151 : vector<1x1x1x128xf32> to vector<128xf32>
    %broadcast_in_dim3A_153 = vector.shape_cast %get3A_152 : vector<128xf32> to vector<1x128xf32>
    %broadcast_in_dim3A_154 = vector.shape_cast %broadcast_in_dim3A_153 : vector<1x128xf32> to vector<1x128xf32>
    %broadcast_in_dim3A_155 = vector.broadcast %broadcast_in_dim3A_154 : vector<1x128xf32> to vector<512x128xf32>
    %swap3A_156 = arith.constant 3 : index
    %swap3A_157 = arith.constant 0 : index
    %swap3A_158 = arith.constant 128 : index
    %swap3A_159 = vector.load %arg2[%swap3A_156, %swap3A_157, %swap3A_158] : memref<8x512x384xf32, #tpu.memory_space<vmem>>, vector<1x512x128xf32>
    %swap3A_160 = vector.shape_cast %swap3A_159 : vector<1x512x128xf32> to vector<512x128xf32>
    %swap3A_161 = vector.shape_cast %broadcast_in_dim3A_155 : vector<512x128xf32> to vector<1x512x128xf32>
    tpu.vector_store %arg2[%swap3A_156, %swap3A_157, %swap3A_158], %swap3A_161 {strides = array<i32>} : memref<8x512x384xf32, #tpu.memory_space<vmem>>, vector<1x512x128xf32>,
    %get3A_162 = arith.constant 0 : index
    %get3A_163 = arith.constant 2 : index
    %get3A_164 = arith.constant 3 : index
    %get3A_165 = arith.constant 0 : index
    %get3A_166 = vector.load %arg1[%get3A_162, %get3A_163, %get3A_164, %get3A_165] : memref<1x3x8x128xf32, #tpu.memory_space<vmem>>, vector<1x1x1x128xf32>
    %get3A_167 = vector.shape_cast %get3A_166 : vector<1x1x1x128xf32> to vector<128xf32>
    %broadcast_in_dim3A_168 = vector.shape_cast %get3A_167 : vector<128xf32> to vector<1x128xf32>
    %broadcast_in_dim3A_169 = vector.shape_cast %broadcast_in_dim3A_168 : vector<1x128xf32> to vector<1x128xf32>
    %broadcast_in_dim3A_170 = vector.broadcast %broadcast_in_dim3A_169 : vector<1x128xf32> to vector<512x128xf32>
    %swap3A_171 = arith.constant 3 : index
    %swap3A_172 = arith.constant 0 : index
    %swap3A_173 = arith.constant 256 : index
    %swap3A_174 = vector.load %arg2[%swap3A_171, %swap3A_172, %swap3A_173] : memref<8x512x384xf32, #tpu.memory_space<vmem>>, vector<1x512x128xf32>
    %swap3A_175 = vector.shape_cast %swap3A_174 : vector<1x512x128xf32> to vector<512x128xf32>
    %swap3A_176 = vector.shape_cast %broadcast_in_dim3A_170 : vector<512x128xf32> to vector<1x512x128xf32>
    tpu.vector_store %arg2[%swap3A_171, %swap3A_172, %swap3A_173], %swap3A_176 {strides = array<i32>} : memref<8x512x384xf32, #tpu.memory_space<vmem>>, vector<1x512x128xf32>,
    %get3A_177 = arith.constant 0 : index
    %get3A_178 = arith.constant 0 : index
    %get3A_179 = arith.constant 4 : index
    %get3A_180 = arith.constant 0 : index
    %get3A_181 = vector.load %arg1[%get3A_177, %get3A_178, %get3A_179, %get3A_180] : memref<1x3x8x128xf32, #tpu.memory_space<vmem>>, vector<1x1x1x128xf32>
    %get3A_182 = vector.shape_cast %get3A_181 : vector<1x1x1x128xf32> to vector<128xf32>
    %broadcast_in_dim3A_183 = vector.shape_cast %get3A_182 : vector<128xf32> to vector<1x128xf32>
    %broadcast_in_dim3A_184 = vector.shape_cast %broadcast_in_dim3A_183 : vector<1x128xf32> to vector<1x128xf32>
    %broadcast_in_dim3A_185 = vector.broadcast %broadcast_in_dim3A_184 : vector<1x128xf32> to vector<512x128xf32>
    %swap3A_186 = arith.constant 4 : index
    %swap3A_187 = arith.constant 0 : index
    %swap3A_188 = arith.constant 0 : index
    %swap3A_189 = vector.load %arg2[%swap3A_186, %swap3A_187, %swap3A_188] : memref<8x512x384xf32, #tpu.memory_space<vmem>>, vector<1x512x128xf32>
    %swap3A_190 = vector.shape_cast %swap3A_189 : vector<1x512x128xf32> to vector<512x128xf32>
    %swap3A_191 = vector.shape_cast %broadcast_in_dim3A_185 : vector<512x128xf32> to vector<1x512x128xf32>
    tpu.vector_store %arg2[%swap3A_186, %swap3A_187, %swap3A_188], %swap3A_191 {strides = array<i32>} : memref<8x512x384xf32, #tpu.memory_space<vmem>>, vector<1x512x128xf32>,
    %get3A_192 = arith.constant 0 : index
    %get3A_193 = arith.constant 1 : index
    %get3A_194 = arith.constant 4 : index
    %get3A_195 = arith.constant 0 : index
    %get3A_196 = vector.load %arg1[%get3A_192, %get3A_193, %get3A_194, %get3A_195] : memref<1x3x8x128xf32, #tpu.memory_space<vmem>>, vector<1x1x1x128xf32>
    %get3A_197 = vector.shape_cast %get3A_196 : vector<1x1x1x128xf32> to vector<128xf32>
    %broadcast_in_dim3A_198 = vector.shape_cast %get3A_197 : vector<128xf32> to vector<1x128xf32>
    %broadcast_in_dim3A_199 = vector.shape_cast %broadcast_in_dim3A_198 : vector<1x128xf32> to vector<1x128xf32>
    %broadcast_in_dim3A_200 = vector.broadcast %broadcast_in_dim3A_199 : vector<1x128xf32> to vector<512x128xf32>
    %swap3A_201 = arith.constant 4 : index
    %swap3A_202 = arith.constant 0 : index
    %swap3A_203 = arith.constant 128 : index
    %swap3A_204 = vector.load %arg2[%swap3A_201, %swap3A_202, %swap3A_203] : memref<8x512x384xf32, #tpu.memory_space<vmem>>, vector<1x512x128xf32>
    %swap3A_205 = vector.shape_cast %swap3A_204 : vector<1x512x128xf32> to vector<512x128xf32>
    %swap3A_206 = vector.shape_cast %broadcast_in_dim3A_200 : vector<512x128xf32> to vector<1x512x128xf32>
    tpu.vector_store %arg2[%swap3A_201, %swap3A_202, %swap3A_203], %swap3A_206 {strides = array<i32>} : memref<8x512x384xf32, #tpu.memory_space<vmem>>, vector<1x512x128xf32>,
    %get3A_207 = arith.constant 0 : index
    %get3A_208 = arith.constant 2 : index
    %get3A_209 = arith.constant 4 : index
    %get3A_210 = arith.constant 0 : index
    %get3A_211 = vector.load %arg1[%get3A_207, %get3A_208, %get3A_209, %get3A_210] : memref<1x3x8x128xf32, #tpu.memory_space<vmem>>, vector<1x1x1x128xf32>
    %get3A_212 = vector.shape_cast %get3A_211 : vector<1x1x1x128xf32> to vector<128xf32>
    %broadcast_in_dim3A_213 = vector.shape_cast %get3A_212 : vector<128xf32> to vector<1x128xf32>
    %broadcast_in_dim3A_214 = vector.shape_cast %broadcast_in_dim3A_213 : vector<1x128xf32> to vector<1x128xf32>
    %broadcast_in_dim3A_215 = vector.broadcast %broadcast_in_dim3A_214 : vector<1x128xf32> to vector<512x128xf32>
    %swap3A_216 = arith.constant 4 : index
    %swap3A_217 = arith.constant 0 : index
    %swap3A_218 = arith.constant 256 : index
    %swap3A_219 = vector.load %arg2[%swap3A_216, %swap3A_217, %swap3A_218] : memref<8x512x384xf32, #tpu.memory_space<vmem>>, vector<1x512x128xf32>
    %swap3A_220 = vector.shape_cast %swap3A_219 : vector<1x512x128xf32> to vector<512x128xf32>
    %swap3A_221 = vector.shape_cast %broadcast_in_dim3A_215 : vector<512x128xf32> to vector<1x512x128xf32>
    tpu.vector_store %arg2[%swap3A_216, %swap3A_217, %swap3A_218], %swap3A_221 {strides = array<i32>} : memref<8x512x384xf32, #tpu.memory_space<vmem>>, vector<1x512x128xf32>,
    %get3A_222 = arith.constant 0 : index
    %get3A_223 = arith.constant 0 : index
    %get3A_224 = arith.constant 5 : index
    %get3A_225 = arith.constant 0 : index
    %get3A_226 = vector.load %arg1[%get3A_222, %get3A_223, %get3A_224, %get3A_225] : memref<1x3x8x128xf32, #tpu.memory_space<vmem>>, vector<1x1x1x128xf32>
    %get3A_227 = vector.shape_cast %get3A_226 : vector<1x1x1x128xf32> to vector<128xf32>
    %broadcast_in_dim3A_228 = vector.shape_cast %get3A_227 : vector<128xf32> to vector<1x128xf32>
    %broadcast_in_dim3A_229 = vector.shape_cast %broadcast_in_dim3A_228 : vector<1x128xf32> to vector<1x128xf32>
    %broadcast_in_dim3A_230 = vector.broadcast %broadcast_in_dim3A_229 : vector<1x128xf32> to vector<512x128xf32>
    %swap3A_231 = arith.constant 5 : index
    %swap3A_232 = arith.constant 0 : index
    %swap3A_233 = arith.constant 0 : index
    %swap3A_234 = vector.load %arg2[%swap3A_231, %swap3A_232, %swap3A_233] : memref<8x512x384xf32, #tpu.memory_space<vmem>>, vector<1x512x128xf32>
    %swap3A_235 = vector.shape_cast %swap3A_234 : vector<1x512x128xf32> to vector<512x128xf32>
    %swap3A_236 = vector.shape_cast %broadcast_in_dim3A_230 : vector<512x128xf32> to vector<1x512x128xf32>
    tpu.vector_store %arg2[%swap3A_231, %swap3A_232, %swap3A_233], %swap3A_236 {strides = array<i32>} : memref<8x512x384xf32, #tpu.memory_space<vmem>>, vector<1x512x128xf32>,
    %get3A_237 = arith.constant 0 : index
    %get3A_238 = arith.constant 1 : index
    %get3A_239 = arith.constant 5 : index
    %get3A_240 = arith.constant 0 : index
    %get3A_241 = vector.load %arg1[%get3A_237, %get3A_238, %get3A_239, %get3A_240] : memref<1x3x8x128xf32, #tpu.memory_space<vmem>>, vector<1x1x1x128xf32>
    %get3A_242 = vector.shape_cast %get3A_241 : vector<1x1x1x128xf32> to vector<128xf32>
    %broadcast_in_dim3A_243 = vector.shape_cast %get3A_242 : vector<128xf32> to vector<1x128xf32>
    %broadcast_in_dim3A_244 = vector.shape_cast %broadcast_in_dim3A_243 : vector<1x128xf32> to vector<1x128xf32>
    %broadcast_in_dim3A_245 = vector.broadcast %broadcast_in_dim3A_244 : vector<1x128xf32> to vector<512x128xf32>
    %swap3A_246 = arith.constant 5 : index
    %swap3A_247 = arith.constant 0 : index
    %swap3A_248 = arith.constant 128 : index
    %swap3A_249 = vector.load %arg2[%swap3A_246, %swap3A_247, %swap3A_248] : memref<8x512x384xf32, #tpu.memory_space<vmem>>, vector<1x512x128xf32>
    %swap3A_250 = vector.shape_cast %swap3A_249 : vector<1x512x128xf32> to vector<512x128xf32>
    %swap3A_251 = vector.shape_cast %broadcast_in_dim3A_245 : vector<512x128xf32> to vector<1x512x128xf32>
    tpu.vector_store %arg2[%swap3A_246, %swap3A_247, %swap3A_248], %swap3A_251 {strides = array<i32>} : memref<8x512x384xf32, #tpu.memory_space<vmem>>, vector<1x512x128xf32>,
    %get3A_252 = arith.constant 0 : index
    %get3A_253 = arith.constant 2 : index
    %get3A_254 = arith.constant 5 : index
    %get3A_255 = arith.constant 0 : index
    %get3A_256 = vector.load %arg1[%get3A_252, %get3A_253, %get3A_254, %get3A_255] : memref<1x3x8x128xf32, #tpu.memory_space<vmem>>, vector<1x1x1x128xf32>
    %get3A_257 = vector.shape_cast %get3A_256 : vector<1x1x1x128xf32> to vector<128xf32>
    %broadcast_in_dim3A_258 = vector.shape_cast %get3A_257 : vector<128xf32> to vector<1x128xf32>
    %broadcast_in_dim3A_259 = vector.shape_cast %broadcast_in_dim3A_258 : vector<1x128xf32> to vector<1x128xf32>
    %broadcast_in_dim3A_260 = vector.broadcast %broadcast_in_dim3A_259 : vector<1x128xf32> to vector<512x128xf32>
    %swap3A_261 = arith.constant 5 : index
    %swap3A_262 = arith.constant 0 : index
    %swap3A_263 = arith.constant 256 : index
    %swap3A_264 = vector.load %arg2[%swap3A_261, %swap3A_262, %swap3A_263] : memref<8x512x384xf32, #tpu.memory_space<vmem>>, vector<1x512x128xf32>
    %swap3A_265 = vector.shape_cast %swap3A_264 : vector<1x512x128xf32> to vector<512x128xf32>
    %swap3A_266 = vector.shape_cast %broadcast_in_dim3A_260 : vector<512x128xf32> to vector<1x512x128xf32>
    tpu.vector_store %arg2[%swap3A_261, %swap3A_262, %swap3A_263], %swap3A_266 {strides = array<i32>} : memref<8x512x384xf32, #tpu.memory_space<vmem>>, vector<1x512x128xf32>,
    %get3A_267 = arith.constant 0 : index
    %get3A_268 = arith.constant 0 : index
    %get3A_269 = arith.constant 6 : index
    %get3A_270 = arith.constant 0 : index
    %get3A_271 = vector.load %arg1[%get3A_267, %get3A_268, %get3A_269, %get3A_270] : memref<1x3x8x128xf32, #tpu.memory_space<vmem>>, vector<1x1x1x128xf32>
    %get3A_272 = vector.shape_cast %get3A_271 : vector<1x1x1x128xf32> to vector<128xf32>
    %broadcast_in_dim3A_273 = vector.shape_cast %get3A_272 : vector<128xf32> to vector<1x128xf32>
    %broadcast_in_dim3A_274 = vector.shape_cast %broadcast_in_dim3A_273 : vector<1x128xf32> to vector<1x128xf32>
    %broadcast_in_dim3A_275 = vector.broadcast %broadcast_in_dim3A_274 : vector<1x128xf32> to vector<512x128xf32>
    %swap3A_276 = arith.constant 6 : index
    %swap3A_277 = arith.constant 0 : index
    %swap3A_278 = arith.constant 0 : index
    %swap3A_279 = vector.load %arg2[%swap3A_276, %swap3A_277, %swap3A_278] : memref<8x512x384xf32, #tpu.memory_space<vmem>>, vector<1x512x128xf32>
    %swap3A_280 = vector.shape_cast %swap3A_279 : vector<1x512x128xf32> to vector<512x128xf32>
    %swap3A_281 = vector.shape_cast %broadcast_in_dim3A_275 : vector<512x128xf32> to vector<1x512x128xf32>
    tpu.vector_store %arg2[%swap3A_276, %swap3A_277, %swap3A_278], %swap3A_281 {strides = array<i32>} : memref<8x512x384xf32, #tpu.memory_space<vmem>>, vector<1x512x128xf32>,
    %get3A_282 = arith.constant 0 : index
    %get3A_283 = arith.constant 1 : index
    %get3A_284 = arith.constant 6 : index
    %get3A_285 = arith.constant 0 : index
    %get3A_286 = vector.load %arg1[%get3A_282, %get3A_283, %get3A_284, %get3A_285] : memref<1x3x8x128xf32, #tpu.memory_space<vmem>>, vector<1x1x1x128xf32>
    %get3A_287 = vector.shape_cast %get3A_286 : vector<1x1x1x128xf32> to vector<128xf32>
    %broadcast_in_dim3A_288 = vector.shape_cast %get3A_287 : vector<128xf32> to vector<1x128xf32>
    %broadcast_in_dim3A_289 = vector.shape_cast %broadcast_in_dim3A_288 : vector<1x128xf32> to vector<1x128xf32>
    %broadcast_in_dim3A_290 = vector.broadcast %broadcast_in_dim3A_289 : vector<1x128xf32> to vector<512x128xf32>
    %swap3A_291 = arith.constant 6 : index
    %swap3A_292 = arith.constant 0 : index
    %swap3A_293 = arith.constant 128 : index
    %swap3A_294 = vector.load %arg2[%swap3A_291, %swap3A_292, %swap3A_293] : memref<8x512x384xf32, #tpu.memory_space<vmem>>, vector<1x512x128xf32>
    %swap3A_295 = vector.shape_cast %swap3A_294 : vector<1x512x128xf32> to vector<512x128xf32>
    %swap3A_296 = vector.shape_cast %broadcast_in_dim3A_290 : vector<512x128xf32> to vector<1x512x128xf32>
    tpu.vector_store %arg2[%swap3A_291, %swap3A_292, %swap3A_293], %swap3A_296 {strides = array<i32>} : memref<8x512x384xf32, #tpu.memory_space<vmem>>, vector<1x512x128xf32>,
    %get3A_297 = arith.constant 0 : index
    %get3A_298 = arith.constant 2 : index
    %get3A_299 = arith.constant 6 : index
    %get3A_300 = arith.constant 0 : index
    %get3A_301 = vector.load %arg1[%get3A_297, %get3A_298, %get3A_299, %get3A_300] : memref<1x3x8x128xf32, #tpu.memory_space<vmem>>, vector<1x1x1x128xf32>
    %get3A_302 = vector.shape_cast %get3A_301 : vector<1x1x1x128xf32> to vector<128xf32>
    %broadcast_in_dim3A_303 = vector.shape_cast %get3A_302 : vector<128xf32> to vector<1x128xf32>
    %broadcast_in_dim3A_304 = vector.shape_cast %broadcast_in_dim3A_303 : vector<1x128xf32> to vector<1x128xf32>
    %broadcast_in_dim3A_305 = vector.broadcast %broadcast_in_dim3A_304 : vector<1x128xf32> to vector<512x128xf32>
    %swap3A_306 = arith.constant 6 : index
    %swap3A_307 = arith.constant 0 : index
    %swap3A_308 = arith.constant 256 : index
    %swap3A_309 = vector.load %arg2[%swap3A_306, %swap3A_307, %swap3A_308] : memref<8x512x384xf32, #tpu.memory_space<vmem>>, vector<1x512x128xf32>
    %swap3A_310 = vector.shape_cast %swap3A_309 : vector<1x512x128xf32> to vector<512x128xf32>
    %swap3A_311 = vector.shape_cast %broadcast_in_dim3A_305 : vector<512x128xf32> to vector<1x512x128xf32>
    tpu.vector_store %arg2[%swap3A_306, %swap3A_307, %swap3A_308], %swap3A_311 {strides = array<i32>} : memref<8x512x384xf32, #tpu.memory_space<vmem>>, vector<1x512x128xf32>,
    %get3A_312 = arith.constant 0 : index
    %get3A_313 = arith.constant 0 : index
    %get3A_314 = arith.constant 7 : index
    %get3A_315 = arith.constant 0 : index
    %get3A_316 = vector.load %arg1[%get3A_312, %get3A_313, %get3A_314, %get3A_315] : memref<1x3x8x128xf32, #tpu.memory_space<vmem>>, vector<1x1x1x128xf32>
    %get3A_317 = vector.shape_cast %get3A_316 : vector<1x1x1x128xf32> to vector<128xf32>
    %broadcast_in_dim3A_318 = vector.shape_cast %get3A_317 : vector<128xf32> to vector<1x128xf32>
    %broadcast_in_dim3A_319 = vector.shape_cast %broadcast_in_dim3A_318 : vector<1x128xf32> to vector<1x128xf32>
    %broadcast_in_dim3A_320 = vector.broadcast %broadcast_in_dim3A_319 : vector<1x128xf32> to vector<512x128xf32>
    %swap3A_321 = arith.constant 7 : index
    %swap3A_322 = arith.constant 0 : index
    %swap3A_323 = arith.constant 0 : index
    %swap3A_324 = vector.load %arg2[%swap3A_321, %swap3A_322, %swap3A_323] : memref<8x512x384xf32, #tpu.memory_space<vmem>>, vector<1x512x128xf32>
    %swap3A_325 = vector.shape_cast %swap3A_324 : vector<1x512x128xf32> to vector<512x128xf32>
    %swap3A_326 = vector.shape_cast %broadcast_in_dim3A_320 : vector<512x128xf32> to vector<1x512x128xf32>
    tpu.vector_store %arg2[%swap3A_321, %swap3A_322, %swap3A_323], %swap3A_326 {strides = array<i32>} : memref<8x512x384xf32, #tpu.memory_space<vmem>>, vector<1x512x128xf32>,
    %get3A_327 = arith.constant 0 : index
    %get3A_328 = arith.constant 1 : index
    %get3A_329 = arith.constant 7 : index
    %get3A_330 = arith.constant 0 : index
    %get3A_331 = vector.load %arg1[%get3A_327, %get3A_328, %get3A_329, %get3A_330] : memref<1x3x8x128xf32, #tpu.memory_space<vmem>>, vector<1x1x1x128xf32>
    %get3A_332 = vector.shape_cast %get3A_331 : vector<1x1x1x128xf32> to vector<128xf32>
    %broadcast_in_dim3A_333 = vector.shape_cast %get3A_332 : vector<128xf32> to vector<1x128xf32>
    %broadcast_in_dim3A_334 = vector.shape_cast %broadcast_in_dim3A_333 : vector<1x128xf32> to vector<1x128xf32>
    %broadcast_in_dim3A_335 = vector.broadcast %broadcast_in_dim3A_334 : vector<1x128xf32> to vector<512x128xf32>
    %swap3A_336 = arith.constant 7 : index
    %swap3A_337 = arith.constant 0 : index
    %swap3A_338 = arith.constant 128 : index
    %swap3A_339 = vector.load %arg2[%swap3A_336, %swap3A_337, %swap3A_338] : memref<8x512x384xf32, #tpu.memory_space<vmem>>, vector<1x512x128xf32>
    %swap3A_340 = vector.shape_cast %swap3A_339 : vector<1x512x128xf32> to vector<512x128xf32>
    %swap3A_341 = vector.shape_cast %broadcast_in_dim3A_335 : vector<512x128xf32> to vector<1x512x128xf32>
    tpu.vector_store %arg2[%swap3A_336, %swap3A_337, %swap3A_338], %swap3A_341 {strides = array<i32>} : memref<8x512x384xf32, #tpu.memory_space<vmem>>, vector<1x512x128xf32>,
    %get3A_342 = arith.constant 0 : index
    %get3A_343 = arith.constant 2 : index
    %get3A_344 = arith.constant 7 : index
    %get3A_345 = arith.constant 0 : index
    %get3A_346 = vector.load %arg1[%get3A_342, %get3A_343, %get3A_344, %get3A_345] : memref<1x3x8x128xf32, #tpu.memory_space<vmem>>, vector<1x1x1x128xf32>
    %get3A_347 = vector.shape_cast %get3A_346 : vector<1x1x1x128xf32> to vector<128xf32>
    %broadcast_in_dim3A_348 = vector.shape_cast %get3A_347 : vector<128xf32> to vector<1x128xf32>
    %broadcast_in_dim3A_349 = vector.shape_cast %broadcast_in_dim3A_348 : vector<1x128xf32> to vector<1x128xf32>
    %broadcast_in_dim3A_350 = vector.broadcast %broadcast_in_dim3A_349 : vector<1x128xf32> to vector<512x128xf32>
    %swap3A_351 = arith.constant 7 : index
    %swap3A_352 = arith.constant 0 : index
    %swap3A_353 = arith.constant 256 : index
    %swap3A_354 = vector.load %arg2[%swap3A_351, %swap3A_352, %swap3A_353] : memref<8x512x384xf32, #tpu.memory_space<vmem>>, vector<1x512x128xf32>
    %swap3A_355 = vector.shape_cast %swap3A_354 : vector<1x512x128xf32> to vector<512x128xf32>
    %swap3A_356 = vector.shape_cast %broadcast_in_dim3A_350 : vector<512x128xf32> to vector<1x512x128xf32>
    tpu.vector_store %arg2[%swap3A_351, %swap3A_352, %swap3A_353], %swap3A_356 {strides = array<i32>} : memref<8x512x384xf32, #tpu.memory_space<vmem>>, vector<1x512x128xf32>,
    return
  }
  func.func @transform_0(%arg0: i32) -> (i32, i32, i32, i32) {
    %c0_i32 = arith.constant 0 : i32
    %c0_i32_0 = arith.constant 0 : i32
    %c0_i32_1 = arith.constant 0 : i32
    %c0_i32_2 = arith.constant 0 : i32
    return %arg0, %c0_i32, %c0_i32_0, %c0_i32_1 : i32, i32, i32, i32
  }
  func.func @transform_1(%arg0: i32) -> (i32, i32, i32) {
    %c0_i32 = arith.constant 0 : i32
    %c0_i32_0 = arith.constant 0 : i32
    %c0_i32_1 = arith.constant 0 : i32
    return %arg0, %c0_i32, %c0_i32_0 : i32, i32, i32
  }
}

</mosaic_0001>

<sc_bundles>
// kernel: kernel.4.cloned.1.call-start
scs
__scs_entry_jumppad:
0x0: {  	(pc) =	sbr.rel $0x88, $3  }
0x1: {  	(tag) =	ssettag $0x0;
	lr =	simm.s32 $0x1  }
0x2: {  	[smem:$0x3F9D] =	sst lr;
	_ =	strace $0xD0000000  }
0x3: {  	_ = 	snop  }
0x4: {  	_ = 	snop  }
0x5: {  	_ = 	snop  }
0x6: {  	_ = 	snop  }
0x7: {  	_ = 	snop  }
__scs_overlays_trampoline_lowered:
0x8: {  	[smem:$0x3FAC] =	sst s0  }
0x9: {  	[smem:$0x3FAD] =	sst s1  }
0xa: {  	[smem:$0x3FAE] =	sst s2  }
0xb: {  	[smem:$0x3FAF] =	sst s3  }
0xc: {  	[smem:$0x3FB0] =	sst s4  }
0xd: {  	[smem:$0x3FB1] =	sst s5  }
0xe: {  	[smem:$0x3FB2] =	sst s6  }
0xf: {  	[smem:$0x3FB3] =	sst s7  }
0x10: {  	[smem:$0x3FB4] =	sst s8  }
0x11: {  	[smem:$0x3FB5] =	sst s9;
	s0 =	simm.s32 @!p0 $0x0  }
0x12: {  	s1 =	sld [smem:$0x3F9B];
	s0 =	simm.s32 @p0 $0x1  }
0x13: {  	[smem:$0x3FB6] =	sst s0;
	s0 =	simm.s32 @!p1 $0x0  }
0x14: {  	s2 =	sld [smem:$0x3F9A];
	s0 =	simm.s32 @p1 $0x1  }
0x15: {  	[smem:$0x3FB7] =	sst s0;
	s0 =	simm.s32 @!p2 $0x0  }
0x16: {  	s3 =	sld [smem:$0x3FDB];
	s0 =	simm.s32 @p2 $0x1  }
0x17: {  	s4 =	simm.s32 $0x1BF5;
	[smem:$0x3FB9] =	sst s0  }
0x18: {  	s0 =	sld [smem:$0x3F9C];
	_ =	swait.ge [sflag:s4], $0x0  }
0x19: {  	s7 =	sld [smem:$0x3F9D]  }
0x1a: {  	s8 =	sadd.s32 $0xFFFFE003, lr  }
0x1b: {  	s9 =	sadd.s32 $0xFFFFFEF7, lr;
	s5 =	simm.s32 $0xFFFFFFFF;
	p2 =	slt.u32 s8, $0xFFFFF086  }
0x1c: {  	p1 =	slt.u32 s9, $0xF7A;
	s5 =	simm.s32 @!p2 $0x0  }
0x1d: {  	s5 =	simm.s32 @p1 $0x1;
	p0 =	seq.s32 s7, s2  }
0x1e: {  	s7 =	smul.u32 @!p0 $0xF7A, s2;
	p2 =	seq.s32 @!p0 s5, $0x0  }
0x1f: {  	s9 =	smul.u32 $0xF7A, s1;
	s8 =	simm.s32 @!p0 $0x1BF5;
	p2 =	por !p2, p0  }
0x20: {  	[sflag:s8] =	ssyncset.s32 @!p0 $0xFFFFF086;
	s6 =	sadd.s32 @!p0 s3, s7;
	s7 =	simm.s32 @!p0 $0x108  }
0x21: {  	s3 =	sadd.s32 s3, s9;
	s6 =	sadd.s32 @!p0 $0x88, s6;
	s7 =	simm.s32 @p2 $0x1082  }
0x22: {  	[simem:s7], [sflag:s8] =	dma.local @!p0 [hbm:s6], $0xF7A  }
0x23: {  	s9 =	sor.u32 $0xD0000000, s2;
	s6 =	simm.s32 $0x108;
	_ =	swait.ge @!p0 [sflag:s8], $0x0  }
0x24: {  	s3 =	sadd.s32 $0x88, s3;
	s6 =	simm.s32 @!p1 $0x1082;
	[sflag:s4] =	ssyncset.s32 $0xFFFFF086  }
0x25: {  	[simem:s6], [sflag:s4] =	dma.local [hbm:s3], $0xF7A  }
0x26: {  	[smem:$0x3F9D] =	sst s1;
	(tag) =	ssettag s2;
	_ =	strace s9  }
0x27: {  	s1 =	sld [smem:$0x3FAD]  }
0x28: {  	s2 =	sld [smem:$0x3FAE]  }
0x29: {  	s4 =	sld [smem:$0x3FB0]  }
0x2a: {  	p0 =	seq.s32 s5, $0x0;
	s5 =	sld [smem:$0x3FB1]  }
0x2b: {  	s6 =	sld [smem:$0x3FB2]  }
0x2c: {  	s7 =	sld [smem:$0x3FB3]  }
0x2d: {  	s3 =	simm.s32 $0x108;
	s8 =	sld [smem:$0x3FB4]  }
0x2e: {  	s3 =	simm.s32 @!p0 $0x1082;
	s9 =	sld [smem:$0x3FB5]  }
0x2f: {  	lr =	sadd.s32 s0, s3;
	s0 =	sld [smem:$0x3FAC]  }
0x30: {  	s3 =	sld [smem:$0x3FAF]  }
0x31: {  	[smem:$0x3FB8] =	sst s10  }
0x32: {  	s10 =	sld [smem:$0x3FB6];
	_ =	sdelay $0x3  }
0x33: {  	p0 =	seq.s32 s10, $0x1;
	s10 =	sld [smem:$0x3FB8];
	_ =	sdelay $0x3  }
0x34: {  	[smem:$0x3FB8] =	sst s10  }
0x35: {  	s10 =	sld [smem:$0x3FB7];
	_ =	sdelay $0x3  }
0x36: {  	p1 =	seq.s32 s10, $0x1;
	s10 =	sld [smem:$0x3FB8];
	_ =	sdelay $0x3  }
0x37: {  	[smem:$0x3FB8] =	sst s10  }
0x38: {  	s10 =	sld [smem:$0x3FB9]  }
0x39: {  	_ = 	snop;
	(pc) =	sbr.ind lr, $3  }
0x3a: {  	_ = 	snop  }
0x3b: {  	_ = 	snop  }
0x3c: {  	p2 =	seq.s32 s10, $0x1;
	s10 =	sld [smem:$0x3FB8]  }
0x3d: {  	_ =	shalt  }
0x3e: {  	_ =	shalt  }
0x3f: {  	_ =	shalt  }
0x40: {  	_ =	shalt  }
0x41: {  	_ =	shalt  }
0x42: {  	_ =	shalt  }
0x43: {  	_ =	shalt  }
0x44: {  	_ =	shalt  }
0x45: {  	_ =	shalt  }
0x46: {  	_ =	shalt  }
0x47: {  	_ =	shalt  }
0x48: {  	_ =	shalt  }
0x49: {  	_ =	shalt  }
0x4a: {  	_ =	shalt  }
0x4b: {  	_ =	shalt  }
0x4c: {  	_ =	shalt  }
0x4d: {  	_ =	shalt  }
0x4e: {  	_ =	shalt  }
0x4f: {  	_ =	shalt  }
0x50: {  	_ =	shalt  }
0x51: {  	_ =	shalt  }
0x52: {  	_ =	shalt  }
0x53: {  	_ =	shalt  }
0x54: {  	_ =	shalt  }
0x55: {  	_ =	shalt  }
0x56: {  	_ =	shalt  }
0x57: {  	_ =	shalt  }
0x58: {  	_ =	shalt  }
0x59: {  	_ =	shalt  }
0x5a: {  	_ =	shalt  }
0x5b: {  	_ =	shalt  }
0x5c: {  	_ =	shalt  }
0x5d: {  	_ =	shalt  }
0x5e: {  	_ =	shalt  }
0x5f: {  	_ =	shalt  }
0x60: {  	_ =	shalt  }
0x61: {  	_ =	shalt  }
0x62: {  	_ =	shalt  }
0x63: {  	_ =	shalt  }
0x64: {  	_ =	shalt  }
0x65: {  	_ =	shalt  }
0x66: {  	_ =	shalt  }
0x67: {  	_ =	shalt  }
0x68: {  	_ =	shalt  }
0x69: {  	_ =	shalt  }
0x6a: {  	_ =	shalt  }
0x6b: {  	_ =	shalt  }
0x6c: {  	_ =	shalt  }
0x6d: {  	_ =	shalt  }
0x6e: {  	_ =	shalt  }
0x6f: {  	_ =	shalt  }
0x70: {  	_ =	shalt  }
0x71: {  	_ =	shalt  }
0x72: {  	_ =	shalt  }
0x73: {  	_ =	shalt  }
0x74: {  	_ =	shalt  }
0x75: {  	_ =	shalt  }
0x76: {  	_ =	shalt  }
0x77: {  	_ =	shalt  }
0x78: {  	_ =	shalt  }
0x79: {  	_ =	shalt  }
0x7a: {  	_ =	shalt  }
0x7b: {  	_ =	shalt  }
0x7c: {  	_ =	shalt  }
0x7d: {  	_ =	shalt  }
0x7e: {  	_ =	shalt  }
0x7f: {  	_ =	shalt  }
0x80: {  	_ =	shalt  }
0x81: {  	_ =	shalt  }
0x82: {  	_ =	shalt  }
0x83: {  	_ =	shalt  }
0x84: {  	_ =	shalt  }
0x85: {  	_ =	shalt  }
0x86: {  	_ =	shalt  }
0x87: {  	_ =	shalt  }
.Lfunc_end0:
.L_simem_size_0:
called_computation_lowered:
.L_overlay_start_0:
0x88: {  	s2 =	sld [smem:$0x3FD9]  }
0x89: {  	s3 =	sld [smem:$0x3FFE];
	_ =	sdelay $0x1  }
0x8a: {  	s1 =	srdreg.scid  }
0x8b: {  	s0 =	sand.u32 $0x1, s1  }
0x8c: {  	s17 =	sshll.u32 s0, $0xA;
	s2 =	sadd.s32 s3, s2  }
0x8d: {  	s2 =	sadd.s32 s2, s17  }
0x8e: {  	[smem:$0x3FC4] =	sst s2  }
0x8f: {  	_ = 	snop  }
0x90: {  	s2 =	sld [smem:$0x3FC8]  }
0x91: {  	s18 =	sld [smem:$0x3FC7]  }
0x92: {  	s4 =	sld [smem:$0x3FC6]  }
0x93: {  	s5 =	sld [smem:$0x3FD0];
	(tm) =	ssettm $0x1  }
0x94: {  	s6 =	sld [smem:$0x3FFB];
	_ =	sdelay $0x3  }
0x95: {  	_ =	strace s6  }
0x96: {  	s6 =	sld [smem:$0x3FFC];
	_ =	sdelay $0x3  }
0x97: {  	_ =	strace s6  }
0x98: {  	s6 =	sld [smem:$0x3FFD];
	_ =	sdelay $0x3  }
0x99: {  	_ =	strace s6  }
0x9a: {  	_ =	strace $0x8FFFFFFF  }
0x9b: {  	s19 =	sld [smem:$0x3FDB];
	_ =	sdelay $0x1  }
0x9c: {  	s7 =	simm.s32 $_scs_section_size  }
0x9d: {  	s8 =	simm.s32 $_size__tile_overlayer_lowered;
	s9 =	simm.s32 $_tile_overlayer_lowered  }
0x9e: {  	s22 =	simm.s32 $0x1BFF;
	s21 =	sshll.u32 s9, $0x1;
	s6 =	sadd.s32 s7, s19  }
0x9f: {  	s10 =	simm.s32 $0x0;
	s20 =	sshll.u32 s8, $0x1;
	s8 =	sadd.s32 s21, s6  }
0xa0: {  	[timem:s10], [sflag:s22] =	dma.local [hbm:s8], s20  }
0xa1: {  	_ =	swait.ge [sflag:s22], s20  }
0xa2: {  	s7 =	ssub.s32 $0x0, s20;
	[sflag:s22] =	ssyncset.done $0x0  }
0xa3: {  	[sflag:s22] =	ssyncadd.s32 s7;
	_ =	sdelay $0x1  }
0xa4: {  	s23 =	simm.s32 $0x1B8B  }
0xa5: {  	_ =	swait.ge [sflag:s23], $0x1  }
0xa6: {  	[sflag:s23] =	ssyncset.done $0x0  }
0xa7: {  	s25 =	simm.s32 $0x1B8E;
	s24 =	sld [smem:$0x3FFE];
	[sflag:s23] =	ssyncadd.s32 $0xFFFFFFFF  }
0xa8: {  	s26 =	simm.s32 $execute0_lowered;
	[smem:$0x3FD2] =	sst s25  }
0xa9: {  	s8 =	sshll.u32 s26, $0x1;
	_ =	strace $0x80000046;
	[dreg:$0x1] =	wrdreg $0xFFFFFFFF  }
0xaa: {  	s28 =	simm.s32 $_size_execute0_lowered;
	s6 =	sadd.s32 s6, s8;
	[dreg:$0x0] =	wrdreg $0x0  }
0xab: {  	s8 =	sshll.u32 s28, $0x1;
	[dreg:$0x2] =	wrdreg s6  }
0xac: {  	[dreg:$0x3] =	wrdreg s8  }
0xad: {  	[dreg:$0x4] =	wrdreg $0xC0  }
0xae: {  	_ =	task [dreg:s10], $0x5FFFF  }
0xaf: {  	[dreg:$0x1] =	wrdreg $0xFFFFFFFF  }
0xb0: {  	[dreg:$0x0] =	wrdreg $0x60  }
0xb1: {  	[dreg:$0x2] =	wrdreg s24  }
0xb2: {  	[dreg:$0x3] =	wrdreg s2  }
0xb3: {  	[dreg:$0x4] =	wrdreg s18  }
0xb4: {  	[dreg:$0x5] =	wrdreg s4  }
0xb5: {  	[dreg:$0x6] =	wrdreg s5  }
0xb6: {  	[dreg:$0x7] =	wrdreg $0x9  }
0xb7: {  	_ =	task.clear_ibuf [dreg:s10], $0x8FFFF;
	_ =	strace $0x90000046  }
0xb8: {  	s29 =	simm.s32 $0x9;
	_ =	strace $0x80000048  }
0xb9: {  	_ =	swait.ge [sflag:s29], $0x1  }
0xba: {  	[sflag:s29] =	ssyncadd.s32 $0xFFFFFFFF  }
0xbb: {  	_ =	strace $0x90000048  }
0xbc: {  	_ =	sfence  }
0xbd: {  	s30 =	sld [smem:$0x0];
	_ =	sdelay $0x2  }
0xbe: {  	s31 =	sshll.u32 s1, $0xD;
	s1 =	sshrl.u32 s1, $0x2  }
0xbf: {  	s3 =	sand.u32 $0x4000, s31;
	s1 =	sadd.s32 s1, s30  }
0xc0: {  	s0 =	sor.u32 s3, s0;
	s1 =	sshll.u32 s1, $0x11  }
0xc1: {  	s0 =	sor.u32 s1, s0  }
0xc2: {  	s0 =	sadd.s32 $0x8F2B, s0  }
0xc3: {  	[sflag:s0] =	ssyncadd.remote.s32 $0x1  }
0xc4: {  	_ =	sfence.sel $0xFFFF  }
0xc5: {  	[dreg:$0x0] =	wrdreg $0xFFFFFFFF;
	(pc) =	sbr.abs _section_cstart, $3  }
0xc6: {  	[dreg:$0x1] =	wrdreg $0xFFFFFFFF  }
0xc7: {  	_ =	task.clear_ibuf [dreg:s10], $0x2FFFF;
	_ =	strace $0x9FFFFFFF  }
0xc8: {  	(tm) =	ssettm $0x7FFFFFFF  }
0xc9: {  	_ =	shalt  }
tec
execute0_lowered:
.L_overlay_start_1:
0x0: {  	(tag) =	ssettag $0x1  }
0x1: {  	s6 =	rddreg [dreg:$0x0]  }
0x2: {  	s1 =	rddreg [dreg:$0x1]  }
0x3: {  	s2 =	rddreg [dreg:$0x2]  }
0x4: {  	s3 =	srdreg.scid;
	s0 =	stileid.u32  }
0x5: {  	s4 =	rddreg [dreg:$0x3];
	s15 =	sand.u32 $0x1, s3;
	s30 =	sshll.u32 s0, $0x1  }
0x6: {  	s16 =	rddreg [dreg:$0x4];
	s17 =	sor.u32 s15, s30  }
0x7: {  	s5 =	simm.s32 $0x0;
	s3 =	rddreg [dreg:$0x5];
	s7 =	sshll.u32 s17, $0x6  }
0x8: {  	[smem:$0x7FF] =	sst s5;
	s6 =	sadd.s32 s7, s6  }
0x9: {  	_ =	strace $0x80000047;
	s7 =	sadd.s32 $0x600, s6;
	s6 =	simm.s32 $0x2  }
0xa: {  	[tilespmem:s5], [sflag:$0x2] =	stream.linear.gather [hbm4b:s7+s5], $0x180, $0x38;
	[tilespmem:$0xE00] =	vst v63  }
0xb: {  	_ =	swait.ge [sflag:s6], $0x180  }
0xc: {  	[sflag:s6] =	ssyncset.done $0x0  }
0xd: {  	s8 =	simm.s32 $0x8;
	s9 =	simm.s32 $0x200;
	[sflag:s6] =	ssyncadd.s32 $0xFFFFFE80  }
0xe: {  	[tilespmem:s9], [sflag:$0x1] =	stream.indirect.gather [hbm4b:s1+s8], $0x80, s5, s8, $0xb8;
	[tilespmem:$0xE00] =	vst v63  }
0xf: {  	s10 =	simm.s32 $0x80;
	s11 =	simm.s32 $0x600  }
0x10: {  	[tilespmem:s11], [sflag:$0x1] =	stream.indirect.gather [hbm4b:s2+s8], $0x80, s10, s8, $0xb8;
	[tilespmem:$0xE00] =	vst v63  }
0x11: {  	s12 =	simm.s32 $0x100;
	s13 =	simm.s32 $0xA00;
	s14 =	simm.s32 $0x1  }
0x12: {  	[tilespmem:s13], [sflag:$0x1] =	stream.indirect.gather [hbm4b:s4+s8], $0x80, s12, s8, $0xb8;
	[tilespmem:$0xE00] =	vst v63  }
0x13: {  	_ =	swait.ge [sflag:s14], $0x400  }
0x14: {  	[sflag:s14] =	ssyncset.done $0x0  }
0x15: {  	s15 =	ssub.s32 $0x2, s15;
	[sflag:s14] =	ssyncadd.s32 $0xFFFFFC00  }
0x16: {  	s18 =	sshrl.u32 s15, $0x1;
	_ =	swait.ge [sflag:s14], $0x400  }
0x17: {  	s18 =	ssub.s32 s15, s18;
	[sflag:s14] =	ssyncset.done $0x0  }
0x18: {  	s31 =	smax.u32 s18, $0x1;
	[sflag:s14] =	ssyncadd.s32 $0xFFFFFC00  }
0x19: {  	s17 =	smul.u32 $0x180, s17;
	p0 =	sne.s32 s31, $0x1;
	_ =	swait.ge [sflag:s14], $0x400  }
.Ltmp0:
0x1a: {  	[sflag:s14] =	ssyncset.done $0x0;
	(pc) =	sbr.rel @!p0 .LBB2_2-.Ltmp0, $4  }
0x1b: {  	s15 =	sadd.s32 s16, s17;
	[sflag:s14] =	ssyncadd.s32 $0xFFFFFC00  }
0x1c: {  	[hbm4b:s15+s5] =	stream.linear.scatter [tilespmem:s9], [sflag:$0x2], $0xC00, $0x38;
	[tilespmem:$0xE00] =	vst v63  }
0x1d: {  	_ =	swait.ge [sflag:s6], $0xC00  }
0x1e: {  	s16 =	sadd.s32 $0xFFFFFFFF, s31;
	[sflag:s6] =	ssyncset.done $0x0  }
.LBB2_1:
0x1f: {  	p0 =	sne.s32 s16, $0x1;
	s16 =	sadd.s32 $0xFFFFFFFF, s16;
	[sflag:s6] =	ssyncadd.s32 $0xFFFFF400  }
0x20: {  	[tilespmem:s5], [sflag:$0x2] =	stream.linear.gather [hbm4b:s7+s5], $0x180, $0x38;
	[tilespmem:$0xE00] =	vst v63  }
0x21: {  	_ =	swait.ge [sflag:s6], $0x180  }
0x22: {  	[sflag:s6] =	ssyncset.done $0x0  }
0x23: {  	[sflag:s6] =	ssyncadd.s32 $0xFFFFFE80  }
0x24: {  	[tilespmem:s9], [sflag:$0x1] =	stream.indirect.gather [hbm4b:s1+s8], $0x80, s5, s8, $0xb8;
	[tilespmem:$0xE00] =	vst v63  }
0x25: {  	_ = 	snop  }
0x26: {  	[tilespmem:s11], [sflag:$0x1] =	stream.indirect.gather [hbm4b:s2+s8], $0x80, s10, s8, $0xb8;
	[tilespmem:$0xE00] =	vst v63  }
0x27: {  	_ = 	snop  }
0x28: {  	[tilespmem:s13], [sflag:$0x1] =	stream.indirect.gather [hbm4b:s4+s8], $0x80, s12, s8, $0xb8;
	[tilespmem:$0xE00] =	vst v63  }
0x29: {  	_ =	swait.ge [sflag:s14], $0x400  }
0x2a: {  	[sflag:s14] =	ssyncset.done $0x0  }
0x2b: {  	[sflag:s14] =	ssyncadd.s32 $0xFFFFFC00  }
0x2c: {  	_ =	swait.ge [sflag:s14], $0x400  }
0x2d: {  	[sflag:s14] =	ssyncset.done $0x0  }
0x2e: {  	[sflag:s14] =	ssyncadd.s32 $0xFFFFFC00  }
0x2f: {  	_ =	swait.ge [sflag:s14], $0x400  }
.Ltmp1:
0x30: {  	[sflag:s14] =	ssyncset.done $0x0;
	(pc) =	sbr.rel @p0 .LBB2_1-.Ltmp1, $4  }
0x31: {  	[sflag:s14] =	ssyncadd.s32 $0xFFFFFC00  }
0x32: {  	[hbm4b:s15+s5] =	stream.linear.scatter [tilespmem:s9], [sflag:$0x2], $0xC00, $0x38;
	[tilespmem:$0xE00] =	vst v63  }
0x33: {  	_ =	swait.ge [sflag:s6], $0xC00  }
0x34: {  	[sflag:s6] =	ssyncset.done $0x0  }
.LBB2_2:
0x35: {  	[sflag:s6] =	ssyncadd.s32 $0xFFFFF400  }
0x36: {  	_ =	sfence.sel $0x180000  }
0x37: {  	[bflag:$0x0] =	sbarrier.arrive $0xFFFF  }
0x38: {  	p0 =	sne.s32 s0, $0x0;
	_ =	strace $0x90000047  }
0x39: {  	s0 =	sadd.s32 @!p0 $0x100000, s3;
	[bflag:$0x2] =	sbarrier.arrive $0xFFFF  }
0x3a: {  	[sflag:s0] =	ssyncadd.tile.s32 @!p0 $0x1;
	_ =	shalt  }
.Lfunc_end2:
_tile_overlayer_lowered:
.L_overlay_start_2:
0x3b: {  	(tag) =	ssettag $0x2  }
0x3c: {  	s0 =	rddreg [dreg:$0x0];
	s2 =	stileid.u32  }
0x3d: {  	s1 =	rddreg [dreg:$0x1];
	p0 =	sne.s32 s2, $0x0  }
0x3e: {  	s3 =	rddreg [dreg:$0x2];
	[bflag:$0x3] =	sbarrier.arrive $0xFFFF;
	s2 =	simm.s32 @!p0 $0x1C02  }
0x3f: {  	[timem:s3], [sflag:s2] =	dma.local @!p0 [hbm:s0], s1  }
0x40: {  	s0 =	simm.s32 @!p0 $0x2  }
0x41: {  	_ =	swait.ge @!p0 [sflag:s0], s1  }
0x42: {  	s1 =	ssub.s32 @!p0 $0x0, s1;
	[sflag:s0] =	ssyncset.done @!p0 $0x0  }
0x43: {  	[sflag:s0] =	ssyncadd.s32 @!p0 s1  }
0x44: {  	[bflag:$0x3] =	sbarrier.arrive $0xFFFF  }
0x45: {  	_ =	shalt  }

</sc_bundles>
